<compile_context>
chip_gen: v7x
topology: tpu7x:2x2x1
jax: 0.10.2.dev20260603
libtpu: 0.0.44.dev20260713+nightly
codegen_flags: <defaults>
</compile_context>

<pallas_src>
import functools

import jax
import jax.numpy as jnp
from jax import lax
from jax.experimental import pallas as pl
from jax.experimental.pallas import tpu as pltpu
from jax.experimental.pallas import tpu_sc as plsc

VOCAB = 100000
EMBED_DIM = 32
BATCH = 16384

_info = plsc.get_sparse_core_info()
_NC, _NS = _info.num_cores, _info.num_subcores
_NPHASE = 4
_PHASE = BATCH // _NPHASE

_mesh = plsc.VectorSubcoreMesh(core_axis_name="c", subcore_axis_name="s")


@functools.partial(
    pl.kernel,
    mesh=_mesh,
    out_type=jax.ShapeDtypeStruct((EMBED_DIM, BATCH), jnp.float32),
    scratch_types=[
        pltpu.VMEM((VOCAB,), jnp.float32),
        pltpu.VMEM((BATCH,), jnp.int32),
        pltpu.VMEM((_PHASE,), jnp.float32),
        pltpu.VMEM((_PHASE,), jnp.float32),
        pltpu.SemaphoreType.DMA,
        pltpu.SemaphoreType.DMA,
        pltpu.SemaphoreType.DMA,
        pltpu.VMEM_SHARED((BATCH,), jnp.int32),
    ],
    compiler_params=pltpu.CompilerParams(
        needs_layout_passes=False,
        skip_device_barrier=True,
        disable_bounds_checks=True,
        disable_semaphore_checks=True,
    ),
)
def _embed_sc(
    idx_hbm, tab_hbm, out_hbm, row_v, idx_v, buf0, buf1, sem0, sem1, semi, idx_sh
):
    s = lax.axis_index("s")
    d = s * _NC + lax.axis_index("c")
    rowc = pltpu.async_copy(tab_hbm.at[d], row_v, semi)

    @pl.when(s == 0)
    def _load_idx():
        pltpu.sync_copy(idx_hbm, idx_sh)

    plsc.subcore_barrier()
    pltpu.sync_copy(idx_sh, idx_v)
    rowc.wait()
    bufs = (buf0, buf1)
    sems = (sem0, sem1)
    copies = [None, None]
    for p in range(_NPHASE):
        buf = bufs[p % 2]
        if copies[p % 2] is not None:
            copies[p % 2].wait()

        @plsc.parallel_loop(0, _PHASE, step=16, unroll=8)
        def _gather(i, p=p, buf=buf):
            idx = idx_v[pl.ds(p * _PHASE + i, 16)]
            buf[pl.ds(i, 16)] = plsc.load_gather(row_v, [idx])

        copies[p % 2] = pltpu.async_copy(
            buf, out_hbm.at[d, pl.ds(p * _PHASE, _PHASE)], sems[p % 2]
        )
    copies[0].wait()
    copies[1].wait()


def kernel(tickers, table):
    return _embed_sc(tickers, table.T).T

# --- scband reference (transcript-rebuilt; emitter-appended) ---
"""Pipeline reference for scband-ticker-embedding-23905787969657 (READ-ONLY COPY).

The authoritative reference and input builder live on the scoring server;
editing this copy changes nothing except your own understanding.
"""

import jax, jax.numpy as jnp
import numpy as np

VOCAB = 100000
EMBED_DIM = 32
BATCH = 16384


def setup_inputs(seed: int = 0) -> dict:
    key = jax.random.key(seed)
    k1, k2 = jax.random.split(key)
    # ticker ids (the torch module maps List[str] -> ids via vocab.lookup; we model the ids directly)
    tickers = jax.random.randint(k1, (BATCH,), 0, VOCAB, dtype=jnp.int32)
    # embedding table; padding_idx=0 row is zero-initialized in nn.Embedding
    table = jax.random.normal(k2, (VOCAB, EMBED_DIM), dtype=jnp.float32)
    table = table.at[0].set(0.0)
    return {"tickers": tickers, "table": table}


def reference(tickers, table):
    # Faithful to nn.Embedding(num_embeddings=VOCAB, embedding_dim=EMBED_DIM, padding_idx=0):
    # row 0 (padding) always contributes a zero vector.
    mask = jnp.ones((table.shape[0], 1), dtype=table.dtype).at[0].set(0.0)
    masked_table = table * mask
    return jnp.take(masked_table, tickers, axis=0)

if __name__ == "__main__":
    import jax
    _d = setup_inputs()
    print(jax.jit(kernel)(*tuple(_d.values())))

</pallas_src>

<mosaic_0001>
#map = affine_map<(d0, d1) -> (0)>
#map1 = affine_map<(d0, d1) -> (0, 0)>
module attributes {stable_mosaic.version = 14 : i64} {
  func.func @_embed_sc(%arg0: i32, %arg1: i32, %arg2: memref<16384xi32, #tpu.memory_space<hbm>>, %arg3: memref<32x100000xf32, #tpu.memory_space<hbm>>, %arg4: memref<32x16384xf32, #tpu.memory_space<hbm>>, %arg5: memref<100000xf32, #tpu.memory_space<vmem>>, %arg6: memref<16384xi32, #tpu.memory_space<vmem>>, %arg7: memref<4096xf32, #tpu.memory_space<vmem>>, %arg8: memref<4096xf32, #tpu.memory_space<vmem>>, %arg9: memref<!tpu.dma_semaphore, #tpu.memory_space<semaphore_mem>>, %arg10: memref<!tpu.dma_semaphore, #tpu.memory_space<semaphore_mem>>, %arg11: memref<!tpu.dma_semaphore, #tpu.memory_space<semaphore_mem>>, %arg12: memref<16384xi32, #tpu.memory_space<vmem_shared>>) attributes {dimension_semantics = [#tpu.dimension_semantics<core_parallel>, #tpu.dimension_semantics<subcore_parallel>], iteration_bounds = array<i64: 2, 16>, scalar_prefetch = 0 : i64, scratch_operands = 8 : i64, tpu.core_type = #tpu.core_type<sc_vector_subcore>, window_params = [{transform_indices = #map}, {transform_indices = #map1}, {transform_indices = #map1}]} {
    %mul3A = arith.constant 2 : i32
    %mul3A_0 = arith.muli %arg1, %mul3A : i32
    %add3A = arith.addi %mul3A_0, %arg0 : i32
    %dma_start3A = arith.constant 0 : i32
    %dma_start3A_1 = tpu.memref_slice %arg3[%add3A, %dma_start3A] : memref<32x100000xf32, #tpu.memory_space<hbm>> -> memref<1x100000xf32, #tpu.memory_space<hbm>>
    %dma_start3A_2 = tpu.memref_squeeze %dma_start3A_1 : memref<1x100000xf32, #tpu.memory_space<hbm>> -> memref<100000xf32, #tpu.memory_space<hbm>>
    %dma_start3A_3 = arith.constant 0 : i32
    %dma_start3A_4 = tpu.memref_slice %arg3[%add3A, %dma_start3A_3] : memref<32x100000xf32, #tpu.memory_space<hbm>> -> memref<1x100000xf32, #tpu.memory_space<hbm>>
    %dma_start3A_5 = tpu.memref_squeeze %dma_start3A_4 : memref<1x100000xf32, #tpu.memory_space<hbm>> -> memref<100000xf32, #tpu.memory_space<hbm>>
    tpu.enqueue_dma source(%dma_start3A_5 : memref<100000xf32, #tpu.memory_space<hbm>>) target(%arg5 : memref<100000xf32, #tpu.memory_space<vmem>>) target_semaphore(%arg11 : memref<!tpu.dma_semaphore, #tpu.memory_space<semaphore_mem>>)
    %eq3A = arith.constant 0 : i32
    %eq3A_6 = arith.cmpi eq, %arg1, %eq3A : i32
    %convert_element_type3A = arith.extui %eq3A_6 : i1 to i32
    %cond3A = arith.constant 0 : i32
    %cond3A_7 = arith.cmpi ne, %convert_element_type3A, %cond3A : i32
    scf.if %cond3A_7 {
      "tpu.region"() ({
        %run_scoped3A = tpu.sem_alloc : memref<!tpu.dma_semaphore, #tpu.memory_space<semaphore_mem>>
        tpu.enqueue_dma source(%arg2 : memref<16384xi32, #tpu.memory_space<hbm>>) target(%arg12 : memref<16384xi32, #tpu.memory_space<vmem_shared>>) target_semaphore(%run_scoped3A : memref<!tpu.dma_semaphore, #tpu.memory_space<semaphore_mem>>)
        tpu.wait_dma2 semaphore(%run_scoped3A : memref<!tpu.dma_semaphore, #tpu.memory_space<semaphore_mem>>) src(%arg2 : memref<16384xi32, #tpu.memory_space<hbm>>) dst(%arg12 : memref<16384xi32, #tpu.memory_space<vmem_shared>>)
        tpu.yield
      }) : () -> ()
    } else {
    }
    %barrier3A = arith.constant 0 : index
    tpu.barrier barrier_id(%barrier3A)
    "tpu.region"() ({
      %run_scoped3A = tpu.sem_alloc : memref<!tpu.dma_semaphore, #tpu.memory_space<semaphore_mem>>
      tpu.enqueue_dma source(%arg12 : memref<16384xi32, #tpu.memory_space<vmem_shared>>) target(%arg6 : memref<16384xi32, #tpu.memory_space<vmem>>) target_semaphore(%run_scoped3A : memref<!tpu.dma_semaphore, #tpu.memory_space<semaphore_mem>>)
      tpu.wait_dma2 semaphore(%run_scoped3A : memref<!tpu.dma_semaphore, #tpu.memory_space<semaphore_mem>>) src(%arg12 : memref<16384xi32, #tpu.memory_space<vmem_shared>>) dst(%arg6 : memref<16384xi32, #tpu.memory_space<vmem>>)
      tpu.yield
    }) : () -> ()
    %dma_wait3A = arith.constant 0 : i32
    %dma_wait3A_8 = tpu.memref_slice %arg3[%add3A, %dma_wait3A] : memref<32x100000xf32, #tpu.memory_space<hbm>> -> memref<1x100000xf32, #tpu.memory_space<hbm>>
    %dma_wait3A_9 = tpu.memref_squeeze %dma_wait3A_8 : memref<1x100000xf32, #tpu.memory_space<hbm>> -> memref<100000xf32, #tpu.memory_space<hbm>>
    %dma_wait3A_10 = arith.constant 0 : i32
    %dma_wait3A_11 = tpu.memref_slice %arg3[%add3A, %dma_wait3A_10] : memref<32x100000xf32, #tpu.memory_space<hbm>> -> memref<1x100000xf32, #tpu.memory_space<hbm>>
    %dma_wait3A_12 = tpu.memref_squeeze %dma_wait3A_11 : memref<1x100000xf32, #tpu.memory_space<hbm>> -> memref<100000xf32, #tpu.memory_space<hbm>>
    tpu.wait_dma2 semaphore(%arg11 : memref<!tpu.dma_semaphore, #tpu.memory_space<semaphore_mem>>) src(%dma_wait3A_12 : memref<100000xf32, #tpu.memory_space<hbm>>) dst(%arg5 : memref<100000xf32, #tpu.memory_space<vmem>>)
    %parallel_loop3A = arith.constant 0 : i32
    %parallel_loop3A_13 = arith.constant 4096 : i32
    %parallel_loop3A_14 = arith.constant 16 : i32
    scf.for %parallel_loop3A_72 = %parallel_loop3A to %parallel_loop3A_13 step %parallel_loop3A_14  : i32 {
      %parallel_loop3A_73 = arith.constant 0 : i32
      %parallel_loop3A_74 = arith.addi %parallel_loop3A_73, %parallel_loop3A_72 : i32
      %parallel_loop3A_75 = arith.index_cast %parallel_loop3A_74 : i32 to index
      %parallel_loop3A_76 = tpu.vector_load %arg6[%parallel_loop3A_75] {strides = array<i32>} : memref<16384xi32, #tpu.memory_space<vmem>>, vector<16xi32>,
      %parallel_loop3A_77 = tpu.vector_load_idx %arg5[%parallel_loop3A_76] : memref<100000xf32, #tpu.memory_space<vmem>>[vector<16xi32>], vector<16xf32>,
      %parallel_loop3A_78 = arith.index_cast %parallel_loop3A_72 : i32 to index
      %parallel_loop3A_79 = tpu.vector_load %arg7[%parallel_loop3A_78] {strides = array<i32>} : memref<4096xf32, #tpu.memory_space<vmem>>, vector<16xf32>,
      tpu.vector_store %arg7[%parallel_loop3A_78], %parallel_loop3A_77 {strides = array<i32>} : memref<4096xf32, #tpu.memory_space<vmem>>, vector<16xf32>,
    } {sc.loop_unroll_factor = 8 : i64, sc.parallel_access}
    %dma_start3A_15 = arith.constant 0 : i32
    %dma_start3A_16 = tpu.memref_slice %arg4[%add3A, %dma_start3A_15] : memref<32x16384xf32, #tpu.memory_space<hbm>> -> memref<1x4096xf32, #tpu.memory_space<hbm>>
    %dma_start3A_17 = tpu.memref_squeeze %dma_start3A_16 : memref<1x4096xf32, #tpu.memory_space<hbm>> -> memref<4096xf32, #tpu.memory_space<hbm>>
    %dma_start3A_18 = arith.constant 0 : i32
    %dma_start3A_19 = tpu.memref_slice %arg4[%add3A, %dma_start3A_18] : memref<32x16384xf32, #tpu.memory_space<hbm>> -> memref<1x4096xf32, #tpu.memory_space<hbm>>
    %dma_start3A_20 = tpu.memref_squeeze %dma_start3A_19 : memref<1x4096xf32, #tpu.memory_space<hbm>> -> memref<4096xf32, #tpu.memory_space<hbm>>
    tpu.enqueue_dma source(%arg7 : memref<4096xf32, #tpu.memory_space<vmem>>) target(%dma_start3A_20 : memref<4096xf32, #tpu.memory_space<hbm>>) target_semaphore(%arg9 : memref<!tpu.dma_semaphore, #tpu.memory_space<semaphore_mem>>)
    %parallel_loop3A_21 = arith.constant 0 : i32
    %parallel_loop3A_22 = arith.constant 4096 : i32
    %parallel_loop3A_23 = arith.constant 16 : i32
    scf.for %parallel_loop3A_72 = %parallel_loop3A_21 to %parallel_loop3A_22 step %parallel_loop3A_23  : i32 {
      %parallel_loop3A_73 = arith.constant 4096 : i32
      %parallel_loop3A_74 = arith.addi %parallel_loop3A_73, %parallel_loop3A_72 : i32
      %parallel_loop3A_75 = arith.index_cast %parallel_loop3A_74 : i32 to index
      %parallel_loop3A_76 = tpu.vector_load %arg6[%parallel_loop3A_75] {strides = array<i32>} : memref<16384xi32, #tpu.memory_space<vmem>>, vector<16xi32>,
      %parallel_loop3A_77 = tpu.vector_load_idx %arg5[%parallel_loop3A_76] : memref<100000xf32, #tpu.memory_space<vmem>>[vector<16xi32>], vector<16xf32>,
      %parallel_loop3A_78 = arith.index_cast %parallel_loop3A_72 : i32 to index
      %parallel_loop3A_79 = tpu.vector_load %arg8[%parallel_loop3A_78] {strides = array<i32>} : memref<4096xf32, #tpu.memory_space<vmem>>, vector<16xf32>,
      tpu.vector_store %arg8[%parallel_loop3A_78], %parallel_loop3A_77 {strides = array<i32>} : memref<4096xf32, #tpu.memory_space<vmem>>, vector<16xf32>,
    } {sc.loop_unroll_factor = 8 : i64, sc.parallel_access}
    %dma_start3A_24 = arith.constant 4096 : i32
    %dma_start3A_25 = tpu.memref_slice %arg4[%add3A, %dma_start3A_24] : memref<32x16384xf32, #tpu.memory_space<hbm>> -> memref<1x4096xf32, #tpu.memory_space<hbm>>
    %dma_start3A_26 = tpu.memref_squeeze %dma_start3A_25 : memref<1x4096xf32, #tpu.memory_space<hbm>> -> memref<4096xf32, #tpu.memory_space<hbm>>
    %dma_start3A_27 = arith.constant 4096 : i32
    %dma_start3A_28 = tpu.memref_slice %arg4[%add3A, %dma_start3A_27] : memref<32x16384xf32, #tpu.memory_space<hbm>> -> memref<1x4096xf32, #tpu.memory_space<hbm>>
    %dma_start3A_29 = tpu.memref_squeeze %dma_start3A_28 : memref<1x4096xf32, #tpu.memory_space<hbm>> -> memref<4096xf32, #tpu.memory_space<hbm>>
    tpu.enqueue_dma source(%arg8 : memref<4096xf32, #tpu.memory_space<vmem>>) target(%dma_start3A_29 : memref<4096xf32, #tpu.memory_space<hbm>>) target_semaphore(%arg10 : memref<!tpu.dma_semaphore, #tpu.memory_space<semaphore_mem>>)
    %dma_wait3A_30 = arith.constant 0 : i32
    %dma_wait3A_31 = tpu.memref_slice %arg4[%add3A, %dma_wait3A_30] : memref<32x16384xf32, #tpu.memory_space<hbm>> -> memref<1x4096xf32, #tpu.memory_space<hbm>>
    %dma_wait3A_32 = tpu.memref_squeeze %dma_wait3A_31 : memref<1x4096xf32, #tpu.memory_space<hbm>> -> memref<4096xf32, #tpu.memory_space<hbm>>
    %dma_wait3A_33 = arith.constant 0 : i32
    %dma_wait3A_34 = tpu.memref_slice %arg4[%add3A, %dma_wait3A_33] : memref<32x16384xf32, #tpu.memory_space<hbm>> -> memref<1x4096xf32, #tpu.memory_space<hbm>>
    %dma_wait3A_35 = tpu.memref_squeeze %dma_wait3A_34 : memref<1x4096xf32, #tpu.memory_space<hbm>> -> memref<4096xf32, #tpu.memory_space<hbm>>
    tpu.wait_dma2 semaphore(%arg9 : memref<!tpu.dma_semaphore, #tpu.memory_space<semaphore_mem>>) src(%arg7 : memref<4096xf32, #tpu.memory_space<vmem>>) dst(%dma_wait3A_35 : memref<4096xf32, #tpu.memory_space<hbm>>)
    %parallel_loop3A_36 = arith.constant 0 : i32
    %parallel_loop3A_37 = arith.constant 4096 : i32
    %parallel_loop3A_38 = arith.constant 16 : i32
    scf.for %parallel_loop3A_72 = %parallel_loop3A_36 to %parallel_loop3A_37 step %parallel_loop3A_38  : i32 {
      %parallel_loop3A_73 = arith.constant 8192 : i32
      %parallel_loop3A_74 = arith.addi %parallel_loop3A_73, %parallel_loop3A_72 : i32
      %parallel_loop3A_75 = arith.index_cast %parallel_loop3A_74 : i32 to index
      %parallel_loop3A_76 = tpu.vector_load %arg6[%parallel_loop3A_75] {strides = array<i32>} : memref<16384xi32, #tpu.memory_space<vmem>>, vector<16xi32>,
      %parallel_loop3A_77 = tpu.vector_load_idx %arg5[%parallel_loop3A_76] : memref<100000xf32, #tpu.memory_space<vmem>>[vector<16xi32>], vector<16xf32>,
      %parallel_loop3A_78 = arith.index_cast %parallel_loop3A_72 : i32 to index
      %parallel_loop3A_79 = tpu.vector_load %arg7[%parallel_loop3A_78] {strides = array<i32>} : memref<4096xf32, #tpu.memory_space<vmem>>, vector<16xf32>,
      tpu.vector_store %arg7[%parallel_loop3A_78], %parallel_loop3A_77 {strides = array<i32>} : memref<4096xf32, #tpu.memory_space<vmem>>, vector<16xf32>,
    } {sc.loop_unroll_factor = 8 : i64, sc.parallel_access}
    %dma_start3A_39 = arith.constant 8192 : i32
    %dma_start3A_40 = tpu.memref_slice %arg4[%add3A, %dma_start3A_39] : memref<32x16384xf32, #tpu.memory_space<hbm>> -> memref<1x4096xf32, #tpu.memory_space<hbm>>
    %dma_start3A_41 = tpu.memref_squeeze %dma_start3A_40 : memref<1x4096xf32, #tpu.memory_space<hbm>> -> memref<4096xf32, #tpu.memory_space<hbm>>
    %dma_start3A_42 = arith.constant 8192 : i32
    %dma_start3A_43 = tpu.memref_slice %arg4[%add3A, %dma_start3A_42] : memref<32x16384xf32, #tpu.memory_space<hbm>> -> memref<1x4096xf32, #tpu.memory_space<hbm>>
    %dma_start3A_44 = tpu.memref_squeeze %dma_start3A_43 : memref<1x4096xf32, #tpu.memory_space<hbm>> -> memref<4096xf32, #tpu.memory_space<hbm>>
    tpu.enqueue_dma source(%arg7 : memref<4096xf32, #tpu.memory_space<vmem>>) target(%dma_start3A_44 : memref<4096xf32, #tpu.memory_space<hbm>>) target_semaphore(%arg9 : memref<!tpu.dma_semaphore, #tpu.memory_space<semaphore_mem>>)
    %dma_wait3A_45 = arith.constant 4096 : i32
    %dma_wait3A_46 = tpu.memref_slice %arg4[%add3A, %dma_wait3A_45] : memref<32x16384xf32, #tpu.memory_space<hbm>> -> memref<1x4096xf32, #tpu.memory_space<hbm>>
    %dma_wait3A_47 = tpu.memref_squeeze %dma_wait3A_46 : memref<1x4096xf32, #tpu.memory_space<hbm>> -> memref<4096xf32, #tpu.memory_space<hbm>>
    %dma_wait3A_48 = arith.constant 4096 : i32
    %dma_wait3A_49 = tpu.memref_slice %arg4[%add3A, %dma_wait3A_48] : memref<32x16384xf32, #tpu.memory_space<hbm>> -> memref<1x4096xf32, #tpu.memory_space<hbm>>
    %dma_wait3A_50 = tpu.memref_squeeze %dma_wait3A_49 : memref<1x4096xf32, #tpu.memory_space<hbm>> -> memref<4096xf32, #tpu.memory_space<hbm>>
    tpu.wait_dma2 semaphore(%arg10 : memref<!tpu.dma_semaphore, #tpu.memory_space<semaphore_mem>>) src(%arg8 : memref<4096xf32, #tpu.memory_space<vmem>>) dst(%dma_wait3A_50 : memref<4096xf32, #tpu.memory_space<hbm>>)
    %parallel_loop3A_51 = arith.constant 0 : i32
    %parallel_loop3A_52 = arith.constant 4096 : i32
    %parallel_loop3A_53 = arith.constant 16 : i32
    scf.for %parallel_loop3A_72 = %parallel_loop3A_51 to %parallel_loop3A_52 step %parallel_loop3A_53  : i32 {
      %parallel_loop3A_73 = arith.constant 12288 : i32
      %parallel_loop3A_74 = arith.addi %parallel_loop3A_73, %parallel_loop3A_72 : i32
      %parallel_loop3A_75 = arith.index_cast %parallel_loop3A_74 : i32 to index
      %parallel_loop3A_76 = tpu.vector_load %arg6[%parallel_loop3A_75] {strides = array<i32>} : memref<16384xi32, #tpu.memory_space<vmem>>, vector<16xi32>,
      %parallel_loop3A_77 = tpu.vector_load_idx %arg5[%parallel_loop3A_76] : memref<100000xf32, #tpu.memory_space<vmem>>[vector<16xi32>], vector<16xf32>,
      %parallel_loop3A_78 = arith.index_cast %parallel_loop3A_72 : i32 to index
      %parallel_loop3A_79 = tpu.vector_load %arg8[%parallel_loop3A_78] {strides = array<i32>} : memref<4096xf32, #tpu.memory_space<vmem>>, vector<16xf32>,
      tpu.vector_store %arg8[%parallel_loop3A_78], %parallel_loop3A_77 {strides = array<i32>} : memref<4096xf32, #tpu.memory_space<vmem>>, vector<16xf32>,
    } {sc.loop_unroll_factor = 8 : i64, sc.parallel_access}
    %dma_start3A_54 = arith.constant 12288 : i32
    %dma_start3A_55 = tpu.memref_slice %arg4[%add3A, %dma_start3A_54] : memref<32x16384xf32, #tpu.memory_space<hbm>> -> memref<1x4096xf32, #tpu.memory_space<hbm>>
    %dma_start3A_56 = tpu.memref_squeeze %dma_start3A_55 : memref<1x4096xf32, #tpu.memory_space<hbm>> -> memref<4096xf32, #tpu.memory_space<hbm>>
    %dma_start3A_57 = arith.constant 12288 : i32
    %dma_start3A_58 = tpu.memref_slice %arg4[%add3A, %dma_start3A_57] : memref<32x16384xf32, #tpu.memory_space<hbm>> -> memref<1x4096xf32, #tpu.memory_space<hbm>>
    %dma_start3A_59 = tpu.memref_squeeze %dma_start3A_58 : memref<1x4096xf32, #tpu.memory_space<hbm>> -> memref<4096xf32, #tpu.memory_space<hbm>>
    tpu.enqueue_dma source(%arg8 : memref<4096xf32, #tpu.memory_space<vmem>>) target(%dma_start3A_59 : memref<4096xf32, #tpu.memory_space<hbm>>) target_semaphore(%arg10 : memref<!tpu.dma_semaphore, #tpu.memory_space<semaphore_mem>>)
    %dma_wait3A_60 = arith.constant 8192 : i32
    %dma_wait3A_61 = tpu.memref_slice %arg4[%add3A, %dma_wait3A_60] : memref<32x16384xf32, #tpu.memory_space<hbm>> -> memref<1x4096xf32, #tpu.memory_space<hbm>>
    %dma_wait3A_62 = tpu.memref_squeeze %dma_wait3A_61 : memref<1x4096xf32, #tpu.memory_space<hbm>> -> memref<4096xf32, #tpu.memory_space<hbm>>
    %dma_wait3A_63 = arith.constant 8192 : i32
    %dma_wait3A_64 = tpu.memref_slice %arg4[%add3A, %dma_wait3A_63] : memref<32x16384xf32, #tpu.memory_space<hbm>> -> memref<1x4096xf32, #tpu.memory_space<hbm>>
    %dma_wait3A_65 = tpu.memref_squeeze %dma_wait3A_64 : memref<1x4096xf32, #tpu.memory_space<hbm>> -> memref<4096xf32, #tpu.memory_space<hbm>>
    tpu.wait_dma2 semaphore(%arg9 : memref<!tpu.dma_semaphore, #tpu.memory_space<semaphore_mem>>) src(%arg7 : memref<4096xf32, #tpu.memory_space<vmem>>) dst(%dma_wait3A_65 : memref<4096xf32, #tpu.memory_space<hbm>>)
    %dma_wait3A_66 = arith.constant 12288 : i32
    %dma_wait3A_67 = tpu.memref_slice %arg4[%add3A, %dma_wait3A_66] : memref<32x16384xf32, #tpu.memory_space<hbm>> -> memref<1x4096xf32, #tpu.memory_space<hbm>>
    %dma_wait3A_68 = tpu.memref_squeeze %dma_wait3A_67 : memref<1x4096xf32, #tpu.memory_space<hbm>> -> memref<4096xf32, #tpu.memory_space<hbm>>
    %dma_wait3A_69 = arith.constant 12288 : i32
    %dma_wait3A_70 = tpu.memref_slice %arg4[%add3A, %dma_wait3A_69] : memref<32x16384xf32, #tpu.memory_space<hbm>> -> memref<1x4096xf32, #tpu.memory_space<hbm>>
    %dma_wait3A_71 = tpu.memref_squeeze %dma_wait3A_70 : memref<1x4096xf32, #tpu.memory_space<hbm>> -> memref<4096xf32, #tpu.memory_space<hbm>>
    tpu.wait_dma2 semaphore(%arg10 : memref<!tpu.dma_semaphore, #tpu.memory_space<semaphore_mem>>) src(%arg8 : memref<4096xf32, #tpu.memory_space<vmem>>) dst(%dma_wait3A_71 : memref<4096xf32, #tpu.memory_space<hbm>>)
    return
  }
}

</mosaic_0001>

<sc_bundles>
// kernel: kernel.3.cloned.1.call-start
scs
__scs_entry_jumppad:
0x0: {  	(pc) =	sbr.rel $0x88, $3  }
0x1: {  	(tag) =	ssettag $0x0;
	lr =	simm.s32 $0x1  }
0x2: {  	[smem:$0x3F9F] =	sst lr;
	_ =	strace $0xD0000000  }
0x3: {  	_ = 	snop  }
0x4: {  	_ = 	snop  }
0x5: {  	_ = 	snop  }
0x6: {  	_ = 	snop  }
0x7: {  	_ = 	snop  }
__scs_overlays_trampoline_lowered:
0x8: {  	[smem:$0x3FAE] =	sst s0  }
0x9: {  	[smem:$0x3FAF] =	sst s1  }
0xa: {  	[smem:$0x3FB0] =	sst s2  }
0xb: {  	[smem:$0x3FB1] =	sst s3  }
0xc: {  	[smem:$0x3FB2] =	sst s4  }
0xd: {  	[smem:$0x3FB3] =	sst s5  }
0xe: {  	[smem:$0x3FB4] =	sst s6  }
0xf: {  	[smem:$0x3FB5] =	sst s7  }
0x10: {  	[smem:$0x3FB6] =	sst s8  }
0x11: {  	[smem:$0x3FB7] =	sst s9;
	s0 =	simm.s32 @!p0 $0x0  }
0x12: {  	s1 =	sld [smem:$0x3F9D];
	s0 =	simm.s32 @p0 $0x1  }
0x13: {  	[smem:$0x3FB8] =	sst s0;
	s0 =	simm.s32 @!p1 $0x0  }
0x14: {  	s2 =	sld [smem:$0x3F9C];
	s0 =	simm.s32 @p1 $0x1  }
0x15: {  	[smem:$0x3FB9] =	sst s0;
	s0 =	simm.s32 @!p2 $0x0  }
0x16: {  	s3 =	sld [smem:$0x3FDB];
	s0 =	simm.s32 @p2 $0x1  }
0x17: {  	s4 =	simm.s32 $0x1BF5;
	[smem:$0x3FBB] =	sst s0  }
0x18: {  	s0 =	sld [smem:$0x3F9E];
	_ =	swait.ge [sflag:s4], $0x0  }
0x19: {  	s7 =	sld [smem:$0x3F9F]  }
0x1a: {  	s8 =	sadd.s32 $0xFFFFE003, lr  }
0x1b: {  	s9 =	sadd.s32 $0xFFFFFEF7, lr;
	s5 =	simm.s32 $0xFFFFFFFF;
	p2 =	slt.u32 s8, $0xFFFFF086  }
0x1c: {  	p1 =	slt.u32 s9, $0xF7A;
	s5 =	simm.s32 @!p2 $0x0  }
0x1d: {  	s5 =	simm.s32 @p1 $0x1;
	p0 =	seq.s32 s7, s2  }
0x1e: {  	s7 =	smul.u32 @!p0 $0xF7A, s2;
	p2 =	seq.s32 @!p0 s5, $0x0  }
0x1f: {  	s9 =	smul.u32 $0xF7A, s1;
	s8 =	simm.s32 @!p0 $0x1BF5;
	p2 =	por !p2, p0  }
0x20: {  	[sflag:s8] =	ssyncset.s32 @!p0 $0xFFFFF086;
	s6 =	sadd.s32 @!p0 s3, s7;
	s7 =	simm.s32 @!p0 $0x108  }
0x21: {  	s3 =	sadd.s32 s3, s9;
	s6 =	sadd.s32 @!p0 $0x88, s6;
	s7 =	simm.s32 @p2 $0x1082  }
0x22: {  	[simem:s7], [sflag:s8] =	dma.local @!p0 [hbm:s6], $0xF7A  }
0x23: {  	s9 =	sor.u32 $0xD0000000, s2;
	s6 =	simm.s32 $0x108;
	_ =	swait.ge @!p0 [sflag:s8], $0x0  }
0x24: {  	s3 =	sadd.s32 $0x88, s3;
	s6 =	simm.s32 @!p1 $0x1082;
	[sflag:s4] =	ssyncset.s32 $0xFFFFF086  }
0x25: {  	[simem:s6], [sflag:s4] =	dma.local [hbm:s3], $0xF7A  }
0x26: {  	[smem:$0x3F9F] =	sst s1;
	(tag) =	ssettag s2;
	_ =	strace s9  }
0x27: {  	s1 =	sld [smem:$0x3FAF]  }
0x28: {  	s2 =	sld [smem:$0x3FB0]  }
0x29: {  	s4 =	sld [smem:$0x3FB2]  }
0x2a: {  	p0 =	seq.s32 s5, $0x0;
	s5 =	sld [smem:$0x3FB3]  }
0x2b: {  	s6 =	sld [smem:$0x3FB4]  }
0x2c: {  	s7 =	sld [smem:$0x3FB5]  }
0x2d: {  	s3 =	simm.s32 $0x108;
	s8 =	sld [smem:$0x3FB6]  }
0x2e: {  	s3 =	simm.s32 @!p0 $0x1082;
	s9 =	sld [smem:$0x3FB7]  }
0x2f: {  	lr =	sadd.s32 s0, s3;
	s0 =	sld [smem:$0x3FAE]  }
0x30: {  	s3 =	sld [smem:$0x3FB1]  }
0x31: {  	[smem:$0x3FBA] =	sst s10  }
0x32: {  	s10 =	sld [smem:$0x3FB8];
	_ =	sdelay $0x3  }
0x33: {  	p0 =	seq.s32 s10, $0x1;
	s10 =	sld [smem:$0x3FBA];
	_ =	sdelay $0x3  }
0x34: {  	[smem:$0x3FBA] =	sst s10  }
0x35: {  	s10 =	sld [smem:$0x3FB9];
	_ =	sdelay $0x3  }
0x36: {  	p1 =	seq.s32 s10, $0x1;
	s10 =	sld [smem:$0x3FBA];
	_ =	sdelay $0x3  }
0x37: {  	[smem:$0x3FBA] =	sst s10  }
0x38: {  	s10 =	sld [smem:$0x3FBB]  }
0x39: {  	_ = 	snop;
	(pc) =	sbr.ind lr, $3  }
0x3a: {  	_ = 	snop  }
0x3b: {  	_ = 	snop  }
0x3c: {  	p2 =	seq.s32 s10, $0x1;
	s10 =	sld [smem:$0x3FBA]  }
0x3d: {  	_ =	shalt  }
0x3e: {  	_ =	shalt  }
0x3f: {  	_ =	shalt  }
0x40: {  	_ =	shalt  }
0x41: {  	_ =	shalt  }
0x42: {  	_ =	shalt  }
0x43: {  	_ =	shalt  }
0x44: {  	_ =	shalt  }
0x45: {  	_ =	shalt  }
0x46: {  	_ =	shalt  }
0x47: {  	_ =	shalt  }
0x48: {  	_ =	shalt  }
0x49: {  	_ =	shalt  }
0x4a: {  	_ =	shalt  }
0x4b: {  	_ =	shalt  }
0x4c: {  	_ =	shalt  }
0x4d: {  	_ =	shalt  }
0x4e: {  	_ =	shalt  }
0x4f: {  	_ =	shalt  }
0x50: {  	_ =	shalt  }
0x51: {  	_ =	shalt  }
0x52: {  	_ =	shalt  }
0x53: {  	_ =	shalt  }
0x54: {  	_ =	shalt  }
0x55: {  	_ =	shalt  }
0x56: {  	_ =	shalt  }
0x57: {  	_ =	shalt  }
0x58: {  	_ =	shalt  }
0x59: {  	_ =	shalt  }
0x5a: {  	_ =	shalt  }
0x5b: {  	_ =	shalt  }
0x5c: {  	_ =	shalt  }
0x5d: {  	_ =	shalt  }
0x5e: {  	_ =	shalt  }
0x5f: {  	_ =	shalt  }
0x60: {  	_ =	shalt  }
0x61: {  	_ =	shalt  }
0x62: {  	_ =	shalt  }
0x63: {  	_ =	shalt  }
0x64: {  	_ =	shalt  }
0x65: {  	_ =	shalt  }
0x66: {  	_ =	shalt  }
0x67: {  	_ =	shalt  }
0x68: {  	_ =	shalt  }
0x69: {  	_ =	shalt  }
0x6a: {  	_ =	shalt  }
0x6b: {  	_ =	shalt  }
0x6c: {  	_ =	shalt  }
0x6d: {  	_ =	shalt  }
0x6e: {  	_ =	shalt  }
0x6f: {  	_ =	shalt  }
0x70: {  	_ =	shalt  }
0x71: {  	_ =	shalt  }
0x72: {  	_ =	shalt  }
0x73: {  	_ =	shalt  }
0x74: {  	_ =	shalt  }
0x75: {  	_ =	shalt  }
0x76: {  	_ =	shalt  }
0x77: {  	_ =	shalt  }
0x78: {  	_ =	shalt  }
0x79: {  	_ =	shalt  }
0x7a: {  	_ =	shalt  }
0x7b: {  	_ =	shalt  }
0x7c: {  	_ =	shalt  }
0x7d: {  	_ =	shalt  }
0x7e: {  	_ =	shalt  }
0x7f: {  	_ =	shalt  }
0x80: {  	_ =	shalt  }
0x81: {  	_ =	shalt  }
0x82: {  	_ =	shalt  }
0x83: {  	_ =	shalt  }
0x84: {  	_ =	shalt  }
0x85: {  	_ =	shalt  }
0x86: {  	_ =	shalt  }
0x87: {  	_ =	shalt  }
.Lfunc_end0:
.L_simem_size_0:
called_computation_lowered:
.L_overlay_start_0:
0x88: {  	s2 =	sld [smem:$0x3FD9]  }
0x89: {  	s3 =	sld [smem:$0x3FFE];
	_ =	sdelay $0x1  }
0x8a: {  	s1 =	srdreg.scid  }
0x8b: {  	s0 =	sand.u32 $0x1, s1  }
0x8c: {  	s18 =	sshll.u32 s0, $0xA;
	s2 =	sadd.s32 s3, s2  }
0x8d: {  	s2 =	sadd.s32 s2, s18  }
0x8e: {  	[smem:$0x3FC6] =	sst s2  }
0x8f: {  	_ = 	snop  }
0x90: {  	s2 =	sld [smem:$0x3FC9]  }
0x91: {  	s19 =	sld [smem:$0x3FC8]  }
0x92: {  	s4 =	sld [smem:$0x3FD0];
	(tm) =	ssettm $0x1  }
0x93: {  	s5 =	sld [smem:$0x3FFB];
	_ =	sdelay $0x3  }
0x94: {  	_ =	strace s5  }
0x95: {  	s5 =	sld [smem:$0x3FFC];
	_ =	sdelay $0x3  }
0x96: {  	_ =	strace s5  }
0x97: {  	s5 =	sld [smem:$0x3FFD];
	_ =	sdelay $0x3  }
0x98: {  	_ =	strace s5  }
0x99: {  	_ =	strace $0x8FFFFFFF  }
0x9a: {  	s20 =	sld [smem:$0x3FDB];
	_ =	sdelay $0x1  }
0x9b: {  	s6 =	simm.s32 $_scs_section_size  }
0x9c: {  	s7 =	simm.s32 $_size__tile_overlayer_lowered;
	s8 =	simm.s32 $_tile_overlayer_lowered  }
0x9d: {  	s23 =	simm.s32 $0x1BFF;
	s22 =	sshll.u32 s8, $0x1;
	s5 =	sadd.s32 s6, s20  }
0x9e: {  	s9 =	simm.s32 $0x0;
	s21 =	sshll.u32 s7, $0x1;
	s7 =	sadd.s32 s22, s5  }
0x9f: {  	[timem:s9], [sflag:s23] =	dma.local [hbm:s7], s21  }
0xa0: {  	_ =	swait.ge [sflag:s23], s21  }
0xa1: {  	s6 =	ssub.s32 $0x0, s21;
	[sflag:s23] =	ssyncset.done $0x0  }
0xa2: {  	[sflag:s23] =	ssyncadd.s32 s6;
	_ =	sdelay $0x1  }
0xa3: {  	s24 =	simm.s32 $0x1B8B  }
0xa4: {  	_ =	swait.ge [sflag:s24], $0x1  }
0xa5: {  	[sflag:s24] =	ssyncset.done $0x0  }
0xa6: {  	s25 =	simm.s32 $0x1B8E;
	[sflag:s24] =	ssyncadd.s32 $0xFFFFFFFF  }
0xa7: {  	s26 =	simm.s32 $execute0_lowered;
	[smem:$0x3FD2] =	sst s25  }
0xa8: {  	s6 =	sshll.u32 s26, $0x1;
	_ =	strace $0x80000046;
	[dreg:$0x1] =	wrdreg $0xFFFFFFFF  }
0xa9: {  	s28 =	simm.s32 $_size_execute0_lowered;
	s5 =	sadd.s32 s5, s6;
	[dreg:$0x0] =	wrdreg $0x0  }
0xaa: {  	s6 =	sshll.u32 s28, $0x1;
	[dreg:$0x2] =	wrdreg s5  }
0xab: {  	[dreg:$0x3] =	wrdreg s6  }
0xac: {  	[dreg:$0x4] =	wrdreg $0xC0  }
0xad: {  	_ =	task [dreg:s9], $0x5FFFF  }
0xae: {  	[dreg:$0x1] =	wrdreg $0xFFFFFFFF  }
0xaf: {  	[dreg:$0x0] =	wrdreg $0x60  }
0xb0: {  	[dreg:$0x2] =	wrdreg s2  }
0xb1: {  	[dreg:$0x3] =	wrdreg s19  }
0xb2: {  	[dreg:$0x4] =	wrdreg s4  }
0xb3: {  	[dreg:$0x5] =	wrdreg $0x1E7000  }
0xb4: {  	[dreg:$0x6] =	wrdreg $0x9  }
0xb5: {  	_ =	task.clear_ibuf [dreg:s9], $0x7FFFF;
	_ =	strace $0x90000046  }
0xb6: {  	s29 =	simm.s32 $0x9;
	_ =	strace $0x80000048  }
0xb7: {  	_ =	swait.ge [sflag:s29], $0x1  }
0xb8: {  	[sflag:s29] =	ssyncadd.s32 $0xFFFFFFFF  }
0xb9: {  	_ =	strace $0x90000048  }
0xba: {  	_ =	sfence  }
0xbb: {  	s30 =	sld [smem:$0x0];
	_ =	sdelay $0x2  }
0xbc: {  	s31 =	sshll.u32 s1, $0xD;
	s1 =	sshrl.u32 s1, $0x2  }
0xbd: {  	s3 =	sand.u32 $0x4000, s31;
	s1 =	sadd.s32 s1, s30  }
0xbe: {  	s0 =	sor.u32 s3, s0;
	s1 =	sshll.u32 s1, $0x11  }
0xbf: {  	s0 =	sor.u32 s1, s0  }
0xc0: {  	s0 =	sadd.s32 $0x8F2B, s0  }
0xc1: {  	[sflag:s0] =	ssyncadd.remote.s32 $0x1  }
0xc2: {  	_ =	sfence.sel $0xFFFF  }
0xc3: {  	[dreg:$0x0] =	wrdreg $0xFFFFFFFF;
	(pc) =	sbr.abs _section_cstart, $3  }
0xc4: {  	[dreg:$0x1] =	wrdreg $0xFFFFFFFF  }
0xc5: {  	_ =	task.clear_ibuf [dreg:s9], $0x2FFFF;
	_ =	strace $0x9FFFFFFF  }
0xc6: {  	(tm) =	ssettm $0x7FFFFFFF  }
0xc7: {  	_ =	shalt  }
tec
execute0_lowered:
.L_overlay_start_1:
0x0: {  	(tag) =	ssettag $0x1  }
0x1: {  	s1 =	rddreg [dreg:$0x0]  }
0x2: {  	s5 =	rddreg [dreg:$0x1]  }
0x3: {  	s4 =	rddreg [dreg:$0x2]  }
0x4: {  	s2 =	rddreg [dreg:$0x3]  }
0x5: {  	s0 =	rddreg [dreg:$0x4];
	s3 =	simm.s32 $0x0;
	s6 =	srdreg.scid  }
0x6: {  	s10 =	stileid.u32;
	s11 =	simm.s32 $0x400;
	s13 =	simm.s32 $0x18700  }
0x7: {  	s14 =	simm.s32 $0x4;
	s15 =	simm.s32 $0x3;
	s16 =	simm.s32 $0x1C700  }
0x8: {  	s17 =	simm.s32 $0x1D700;
	s18 =	simm.s32 $0x1;
	s19 =	simm.s32 $0x2  }
0x9: {  	s20 =	simm.s32 $0x0;
	[smem:$0x7FF] =	sst s3;
	s6 =	sand.u32 $0x1, s6  }
0xa: {  	s7 =	sshll.u32 s10, $0x8;
	s8 =	sshrl.u32 s10, $0x2;
	p0 =	sne.s32 s10, $0x0  }
0xb: {  	s10 =	simm.s32 $0x80;
	s9 =	sshll.u32 s6, $0x7;
	s7 =	sand.u32 $0x300, s7  }
0xc: {  	s30 =	smul.u32 $0xC3800, s8;
	s8 =	sshll.u32 s8, $0x11;
	_ =	strace $0x80000047  }
0xd: {  	s6 =	ssub.s32 $0x2, s6;
	s12 =	sshrl.u32 @!p0 s2, $0x3;
	s7 =	sor.u32 s9, s7  }
0xe: {  	s31 =	sshrl.u32 s6, $0x1;
	s8 =	sor.u32 s8, s7;
	s7 =	sor.u32 s30, s7  }
0xf: {  	s9 =	ssub.s32 s6, s31;
	s8 =	sshrl.u32 s8, $0x3;
	s7 =	sshrl.u32 s7, $0x3  }
0x10: {  	s9 =	smax.u32 s9, $0x1;
	s4 =	sadd.s32 s4, s8;
	s5 =	sadd.s32 s5, s7  }
0x11: {  	s6 =	sadd.s32 $0x1000, s4;
	s7 =	sadd.s32 $0x2000, s4;
	s8 =	sadd.s32 $0x3000, s4  }
.LBB2_1:
0x12: {  	[tilespmem:s3], [sflag:$0x3] =	stream.strided.gather [hbm4b:s5+s10], $0x18700, s11, s10, $0x38;
	[tilespmem:$0x1EB00] =	vst v63  }
0x13: {  	s21 =	simm.s32 @!p0 $0x1C04  }
0x14: {  	[spmem:s12], [sflag:s21] =	dma.local @!p0 [hbm:s1], $0x800  }
0x15: {  	s21 =	simm.s32 @!p0 $0x4  }
0x16: {  	_ =	swait.ge @!p0 [sflag:s21], $0x800  }
0x17: {  	[sflag:s21] =	ssyncset.done @!p0 $0x0  }
0x18: {  	[sflag:s21] =	ssyncadd.s32 @!p0 $0xFFFFF800  }
0x19: {  	[bflag:$0x0] =	sbarrier.arrive $0xFFFF  }
0x1a: {  	[tilespmem:s13], [sflag:$0x4] =	stream.linear.gather [spmem:s2], $0x4000, $0x38;
	[tilespmem:$0x1EB00] =	vst v63  }
0x1b: {  	_ =	swait.ge [sflag:s14], $0x4000  }
0x1c: {  	[sflag:s14] =	ssyncset.done $0x0  }
0x1d: {  	[sflag:s14] =	ssyncadd.s32 $0xFFFFC000  }
0x1e: {  	_ =	swait.ge [sflag:s15], $0x18700  }
0x1f: {  	[sflag:s15] =	ssyncset.done $0x0  }
0x20: {  	s31 =	simm.s32 $0x18740;
	[sflag:s15] =	ssyncadd.s32 $0xFFFE7900  }
0x21: {  	v0 =	vld [tilespmem:s31+$0x30]  }
0x22: {  	v1 =	vld [tilespmem:s31+$0xFFFFFFD0]  }
0x23: {  	v2 =	vld [tilespmem:s31+$0xFFFFFFE0]  }
0x24: {  	v3 =	vld [tilespmem:s31+$0xFFFFFFF0]  }
0x25: {  	v4 =	vld [tilespmem:s31+$0x0]  }
0x26: {  	v6 =	vld [tilespmem:s31+$0x10]  }
0x27: {  	v7 =	vld [tilespmem:s31+$0x20]  }
0x28: {  	v8 =	vld [tilespmem:s31+$0xFFFFFFC0]  }
0x29: {  	v9 =	vld.idx.msk [tilespmem:v0+s3+$0x0], $0xffff  }
0x2a: {  	v10 =	vld.idx.msk [tilespmem:v1+s3+$0x0], $0xffff  }
0x2b: {  	v5 =	vld.idx.msk [tilespmem:v2+s3+$0x0], $0xffff  }
0x2c: {  	v3 =	vld.idx.msk [tilespmem:v3+s3+$0x0], $0xffff  }
0x2d: {  	v0 =	vld.idx.msk [tilespmem:v4+s3+$0x0], $0xffff  }
0x2e: {  	s21 =	simm.s32 $0x1C740;
	v1 =	vld.idx.msk [tilespmem:v6+s3+$0x0], $0xffff  }
0x2f: {  	v2 =	vld.idx.msk [tilespmem:v7+s3+$0x0], $0xffff;
	[tilespmem:s21+$0x30] =	vst v9  }
0x30: {  	s22 =	simm.s32 $0x0;
	s23 =	simm.s32 $0x187C0;
	v4 =	vld.idx.msk [tilespmem:v8+s3+$0x0], $0xffff;
	[tilespmem:s21+$0xFFFFFFD0] =	vst v10  }
.LBB2_2:
0x31: {  	v6 =	vld [tilespmem:s23+$0x30];
	s22 =	sadd.s32 $0x80, s22;
	[tilespmem:s21+$0xFFFFFFE0] =	vst v5  }
0x32: {  	v5 =	vld [tilespmem:s23+$0xFFFFFFD0];
	p1 =	slt.u32 s22, $0xF80;
	[tilespmem:s21+$0xFFFFFFF0] =	vst v3  }
0x33: {  	v3 =	vld [tilespmem:s23+$0xFFFFFFE0];
	[tilespmem:s21+$0x0] =	vst v0  }
0x34: {  	v0 =	vld [tilespmem:s23+$0xFFFFFFF0];
	[tilespmem:s21+$0x10] =	vst v1  }
0x35: {  	v1 =	vld [tilespmem:s23+$0x0];
	[tilespmem:s21+$0x20] =	vst v2  }
0x36: {  	v2 =	vld [tilespmem:s23+$0x10];
	[tilespmem:s21+$0xFFFFFFC0] =	vst v4  }
0x37: {  	v4 =	vld [tilespmem:s23+$0x20]  }
0x38: {  	v7 =	vld [tilespmem:s23+$0xFFFFFFC0]  }
0x39: {  	v6 =	vld.idx.msk [tilespmem:v6+s3+$0x0], $0xffff  }
0x3a: {  	v8 =	vld.idx.msk [tilespmem:v5+s3+$0x0], $0xffff  }
0x3b: {  	v5 =	vld.idx.msk [tilespmem:v3+s3+$0x0], $0xffff  }
.Ltmp0:
0x3c: {  	v3 =	vld.idx.msk [tilespmem:v0+s3+$0x0], $0xffff;
	(pc) =	sbr.rel @p1 .LBB2_2-.Ltmp0, $4  }
0x3d: {  	v0 =	vld.idx.msk [tilespmem:v1+s3+$0x0], $0xffff  }
0x3e: {  	s21 =	sadd.s32 $0x80, s21;
	v1 =	vld.idx.msk [tilespmem:v2+s3+$0x0], $0xffff  }
0x3f: {  	v2 =	vld.idx.msk [tilespmem:v4+s3+$0x0], $0xffff;
	[tilespmem:s21+$0x30] =	vst v6  }
0x40: {  	s23 =	sadd.s32 $0x80, s23;
	v4 =	vld.idx.msk [tilespmem:v7+s3+$0x0], $0xffff;
	[tilespmem:s21+$0xFFFFFFD0] =	vst v8  }
0x41: {  	[tilespmem:s21+$0xFFFFFFE0] =	vst v5  }
0x42: {  	[tilespmem:s21+$0xFFFFFFF0] =	vst v3  }
0x43: {  	[tilespmem:s21+$0x0] =	vst v0  }
0x44: {  	[tilespmem:s21+$0x10] =	vst v1  }
0x45: {  	[tilespmem:s21+$0x20] =	vst v2  }
0x46: {  	s31 =	simm.s32 $0x19770;
	[tilespmem:s21+$0xFFFFFFC0] =	vst v4  }
0x47: {  	[hbm4b:s4+s10] =	stream.strided.scatter [tilespmem:s16], [sflag:$0x1], $0x1000, s11, s10, $0x38;
	[tilespmem:$0x1EB00] =	vst v63  }
0x48: {  	v0 =	vld [tilespmem:s31+$0x0]  }
0x49: {  	v1 =	vld [tilespmem:s31+$0xFFFFFFA0]  }
0x4a: {  	v2 =	vld [tilespmem:s31+$0xFFFFFFB0]  }
0x4b: {  	v3 =	vld [tilespmem:s31+$0xFFFFFFC0]  }
0x4c: {  	v4 =	vld [tilespmem:s31+$0xFFFFFFD0]  }
0x4d: {  	v6 =	vld [tilespmem:s31+$0xFFFFFFE0]  }
0x4e: {  	v7 =	vld [tilespmem:s31+$0xFFFFFFF0]  }
0x4f: {  	v8 =	vld [tilespmem:s31+$0xFFFFFF90]  }
0x50: {  	v9 =	vld.idx.msk [tilespmem:v0+s3+$0x0], $0xffff  }
0x51: {  	v10 =	vld.idx.msk [tilespmem:v1+s3+$0x0], $0xffff  }
0x52: {  	v5 =	vld.idx.msk [tilespmem:v2+s3+$0x0], $0xffff  }
0x53: {  	v3 =	vld.idx.msk [tilespmem:v3+s3+$0x0], $0xffff  }
0x54: {  	v0 =	vld.idx.msk [tilespmem:v4+s3+$0x0], $0xffff  }
0x55: {  	s21 =	simm.s32 $0x1D740;
	v1 =	vld.idx.msk [tilespmem:v6+s3+$0x0], $0xffff  }
0x56: {  	v2 =	vld.idx.msk [tilespmem:v7+s3+$0x0], $0xffff;
	[tilespmem:s21+$0x30] =	vst v9  }
0x57: {  	s22 =	simm.s32 $0x0;
	s23 =	simm.s32 $0x197F0;
	v4 =	vld.idx.msk [tilespmem:v8+s3+$0x0], $0xffff;
	[tilespmem:s21+$0xFFFFFFD0] =	vst v10  }
.LBB2_4:
0x58: {  	v6 =	vld [tilespmem:s23+$0x0];
	s22 =	sadd.s32 $0x80, s22;
	[tilespmem:s21+$0xFFFFFFE0] =	vst v5  }
0x59: {  	v5 =	vld [tilespmem:s23+$0xFFFFFFA0];
	p1 =	slt.u32 s22, $0xF80;
	[tilespmem:s21+$0xFFFFFFF0] =	vst v3  }
0x5a: {  	v3 =	vld [tilespmem:s23+$0xFFFFFFB0];
	[tilespmem:s21+$0x0] =	vst v0  }
0x5b: {  	v0 =	vld [tilespmem:s23+$0xFFFFFFC0];
	[tilespmem:s21+$0x10] =	vst v1  }
0x5c: {  	v1 =	vld [tilespmem:s23+$0xFFFFFFD0];
	[tilespmem:s21+$0x20] =	vst v2  }
0x5d: {  	v2 =	vld [tilespmem:s23+$0xFFFFFFE0];
	[tilespmem:s21+$0xFFFFFFC0] =	vst v4  }
0x5e: {  	v4 =	vld [tilespmem:s23+$0xFFFFFFF0]  }
0x5f: {  	v7 =	vld [tilespmem:s23+$0xFFFFFF90]  }
0x60: {  	v6 =	vld.idx.msk [tilespmem:v6+s3+$0x0], $0xffff  }
0x61: {  	v8 =	vld.idx.msk [tilespmem:v5+s3+$0x0], $0xffff  }
0x62: {  	v5 =	vld.idx.msk [tilespmem:v3+s3+$0x0], $0xffff  }
.Ltmp1:
0x63: {  	v3 =	vld.idx.msk [tilespmem:v0+s3+$0x0], $0xffff;
	(pc) =	sbr.rel @p1 .LBB2_4-.Ltmp1, $4  }
0x64: {  	v0 =	vld.idx.msk [tilespmem:v1+s3+$0x0], $0xffff  }
0x65: {  	s21 =	sadd.s32 $0x80, s21;
	v1 =	vld.idx.msk [tilespmem:v2+s3+$0x0], $0xffff  }
0x66: {  	v2 =	vld.idx.msk [tilespmem:v4+s3+$0x0], $0xffff;
	[tilespmem:s21+$0x30] =	vst v6  }
0x67: {  	s23 =	sadd.s32 $0x80, s23;
	v4 =	vld.idx.msk [tilespmem:v7+s3+$0x0], $0xffff;
	[tilespmem:s21+$0xFFFFFFD0] =	vst v8  }
0x68: {  	[tilespmem:s21+$0xFFFFFFE0] =	vst v5  }
0x69: {  	[tilespmem:s21+$0xFFFFFFF0] =	vst v3  }
0x6a: {  	[tilespmem:s21+$0x0] =	vst v0  }
0x6b: {  	[tilespmem:s21+$0x10] =	vst v1  }
0x6c: {  	[tilespmem:s21+$0x20] =	vst v2  }
0x6d: {  	[tilespmem:s21+$0xFFFFFFC0] =	vst v4  }
0x6e: {  	[hbm4b:s6+s10] =	stream.strided.scatter [tilespmem:s17], [sflag:$0x2], $0x1000, s11, s10, $0x38;
	[tilespmem:$0x1EB00] =	vst v63  }
0x6f: {  	_ =	swait.ge [sflag:s18], $0x1000  }
0x70: {  	[sflag:s18] =	ssyncset.done $0x0  }
0x71: {  	s31 =	simm.s32 $0x1A770;
	[sflag:s18] =	ssyncadd.s32 $0xFFFFF000  }
0x72: {  	v0 =	vld [tilespmem:s31+$0x0]  }
0x73: {  	v1 =	vld [tilespmem:s31+$0xFFFFFFA0]  }
0x74: {  	v2 =	vld [tilespmem:s31+$0xFFFFFFB0]  }
0x75: {  	v3 =	vld [tilespmem:s31+$0xFFFFFFC0]  }
0x76: {  	v4 =	vld [tilespmem:s31+$0xFFFFFFD0]  }
0x77: {  	v6 =	vld [tilespmem:s31+$0xFFFFFFE0]  }
0x78: {  	v7 =	vld [tilespmem:s31+$0xFFFFFFF0]  }
0x79: {  	v8 =	vld [tilespmem:s31+$0xFFFFFF90]  }
0x7a: {  	v9 =	vld.idx.msk [tilespmem:v0+s3+$0x0], $0xffff  }
0x7b: {  	v10 =	vld.idx.msk [tilespmem:v1+s3+$0x0], $0xffff  }
0x7c: {  	v5 =	vld.idx.msk [tilespmem:v2+s3+$0x0], $0xffff  }
0x7d: {  	v3 =	vld.idx.msk [tilespmem:v3+s3+$0x0], $0xffff  }
0x7e: {  	v0 =	vld.idx.msk [tilespmem:v4+s3+$0x0], $0xffff  }
0x7f: {  	s21 =	simm.s32 $0x1C740;
	v1 =	vld.idx.msk [tilespmem:v6+s3+$0x0], $0xffff  }
0x80: {  	v2 =	vld.idx.msk [tilespmem:v7+s3+$0x0], $0xffff;
	[tilespmem:s21+$0x30] =	vst v9  }
0x81: {  	s22 =	simm.s32 $0x0;
	s23 =	simm.s32 $0x1A7F0;
	v4 =	vld.idx.msk [tilespmem:v8+s3+$0x0], $0xffff;
	[tilespmem:s21+$0xFFFFFFD0] =	vst v10  }
.LBB2_6:
0x82: {  	v6 =	vld [tilespmem:s23+$0x0];
	s22 =	sadd.s32 $0x80, s22;
	[tilespmem:s21+$0xFFFFFFE0] =	vst v5  }
0x83: {  	v5 =	vld [tilespmem:s23+$0xFFFFFFA0];
	p1 =	slt.u32 s22, $0xF80;
	[tilespmem:s21+$0xFFFFFFF0] =	vst v3  }
0x84: {  	v3 =	vld [tilespmem:s23+$0xFFFFFFB0];
	[tilespmem:s21+$0x0] =	vst v0  }
0x85: {  	v0 =	vld [tilespmem:s23+$0xFFFFFFC0];
	[tilespmem:s21+$0x10] =	vst v1  }
0x86: {  	v1 =	vld [tilespmem:s23+$0xFFFFFFD0];
	[tilespmem:s21+$0x20] =	vst v2  }
0x87: {  	v2 =	vld [tilespmem:s23+$0xFFFFFFE0];
	[tilespmem:s21+$0xFFFFFFC0] =	vst v4  }
0x88: {  	v4 =	vld [tilespmem:s23+$0xFFFFFFF0]  }
0x89: {  	v7 =	vld [tilespmem:s23+$0xFFFFFF90]  }
0x8a: {  	v6 =	vld.idx.msk [tilespmem:v6+s3+$0x0], $0xffff  }
0x8b: {  	v8 =	vld.idx.msk [tilespmem:v5+s3+$0x0], $0xffff  }
0x8c: {  	v5 =	vld.idx.msk [tilespmem:v3+s3+$0x0], $0xffff  }
.Ltmp2:
0x8d: {  	v3 =	vld.idx.msk [tilespmem:v0+s3+$0x0], $0xffff;
	(pc) =	sbr.rel @p1 .LBB2_6-.Ltmp2, $4  }
0x8e: {  	v0 =	vld.idx.msk [tilespmem:v1+s3+$0x0], $0xffff  }
0x8f: {  	s21 =	sadd.s32 $0x80, s21;
	v1 =	vld.idx.msk [tilespmem:v2+s3+$0x0], $0xffff  }
0x90: {  	v2 =	vld.idx.msk [tilespmem:v4+s3+$0x0], $0xffff;
	[tilespmem:s21+$0x30] =	vst v6  }
0x91: {  	s23 =	sadd.s32 $0x80, s23;
	v4 =	vld.idx.msk [tilespmem:v7+s3+$0x0], $0xffff;
	[tilespmem:s21+$0xFFFFFFD0] =	vst v8  }
0x92: {  	[tilespmem:s21+$0xFFFFFFE0] =	vst v5  }
0x93: {  	[tilespmem:s21+$0xFFFFFFF0] =	vst v3  }
0x94: {  	[tilespmem:s21+$0x0] =	vst v0  }
0x95: {  	[tilespmem:s21+$0x10] =	vst v1  }
0x96: {  	[tilespmem:s21+$0x20] =	vst v2  }
0x97: {  	[tilespmem:s21+$0xFFFFFFC0] =	vst v4  }
0x98: {  	[hbm4b:s7+s10] =	stream.strided.scatter [tilespmem:s16], [sflag:$0x1], $0x1000, s11, s10, $0x38;
	[tilespmem:$0x1EB00] =	vst v63  }
0x99: {  	_ =	swait.ge [sflag:s19], $0x1000  }
0x9a: {  	[sflag:s19] =	ssyncset.done $0x0  }
0x9b: {  	s31 =	simm.s32 $0x1B770;
	[sflag:s19] =	ssyncadd.s32 $0xFFFFF000  }
0x9c: {  	v0 =	vld [tilespmem:s31+$0x0]  }
0x9d: {  	v1 =	vld [tilespmem:s31+$0xFFFFFFA0]  }
0x9e: {  	v2 =	vld [tilespmem:s31+$0xFFFFFFB0]  }
0x9f: {  	v3 =	vld [tilespmem:s31+$0xFFFFFFC0]  }
0xa0: {  	v4 =	vld [tilespmem:s31+$0xFFFFFFD0]  }
0xa1: {  	v6 =	vld [tilespmem:s31+$0xFFFFFFE0]  }
0xa2: {  	v7 =	vld [tilespmem:s31+$0xFFFFFFF0]  }
0xa3: {  	v8 =	vld [tilespmem:s31+$0xFFFFFF90]  }
0xa4: {  	v9 =	vld.idx.msk [tilespmem:v0+s3+$0x0], $0xffff  }
0xa5: {  	v10 =	vld.idx.msk [tilespmem:v1+s3+$0x0], $0xffff  }
0xa6: {  	v5 =	vld.idx.msk [tilespmem:v2+s3+$0x0], $0xffff  }
0xa7: {  	v3 =	vld.idx.msk [tilespmem:v3+s3+$0x0], $0xffff  }
0xa8: {  	v0 =	vld.idx.msk [tilespmem:v4+s3+$0x0], $0xffff  }
0xa9: {  	s21 =	simm.s32 $0x1D740;
	v1 =	vld.idx.msk [tilespmem:v6+s3+$0x0], $0xffff  }
0xaa: {  	v2 =	vld.idx.msk [tilespmem:v7+s3+$0x0], $0xffff;
	[tilespmem:s21+$0x30] =	vst v9  }
0xab: {  	s22 =	simm.s32 $0x0;
	s23 =	simm.s32 $0x1B7F0;
	v4 =	vld.idx.msk [tilespmem:v8+s3+$0x0], $0xffff;
	[tilespmem:s21+$0xFFFFFFD0] =	vst v10  }
.LBB2_8:
0xac: {  	v6 =	vld [tilespmem:s23+$0x0];
	s22 =	sadd.s32 $0x80, s22;
	[tilespmem:s21+$0xFFFFFFE0] =	vst v5  }
0xad: {  	v5 =	vld [tilespmem:s23+$0xFFFFFFA0];
	p1 =	slt.u32 s22, $0xF80;
	[tilespmem:s21+$0xFFFFFFF0] =	vst v3  }
0xae: {  	v3 =	vld [tilespmem:s23+$0xFFFFFFB0];
	[tilespmem:s21+$0x0] =	vst v0  }
0xaf: {  	v0 =	vld [tilespmem:s23+$0xFFFFFFC0];
	[tilespmem:s21+$0x10] =	vst v1  }
0xb0: {  	v1 =	vld [tilespmem:s23+$0xFFFFFFD0];
	[tilespmem:s21+$0x20] =	vst v2  }
0xb1: {  	v2 =	vld [tilespmem:s23+$0xFFFFFFE0];
	[tilespmem:s21+$0xFFFFFFC0] =	vst v4  }
0xb2: {  	v4 =	vld [tilespmem:s23+$0xFFFFFFF0]  }
0xb3: {  	v7 =	vld [tilespmem:s23+$0xFFFFFF90]  }
0xb4: {  	v6 =	vld.idx.msk [tilespmem:v6+s3+$0x0], $0xffff  }
0xb5: {  	v8 =	vld.idx.msk [tilespmem:v5+s3+$0x0], $0xffff  }
0xb6: {  	v5 =	vld.idx.msk [tilespmem:v3+s3+$0x0], $0xffff  }
.Ltmp3:
0xb7: {  	v3 =	vld.idx.msk [tilespmem:v0+s3+$0x0], $0xffff;
	(pc) =	sbr.rel @p1 .LBB2_8-.Ltmp3, $4  }
0xb8: {  	v0 =	vld.idx.msk [tilespmem:v1+s3+$0x0], $0xffff  }
0xb9: {  	s21 =	sadd.s32 $0x80, s21;
	v1 =	vld.idx.msk [tilespmem:v2+s3+$0x0], $0xffff  }
0xba: {  	v2 =	vld.idx.msk [tilespmem:v4+s3+$0x0], $0xffff;
	[tilespmem:s21+$0x30] =	vst v6  }
0xbb: {  	s23 =	sadd.s32 $0x80, s23;
	v4 =	vld.idx.msk [tilespmem:v7+s3+$0x0], $0xffff;
	[tilespmem:s21+$0xFFFFFFD0] =	vst v8  }
0xbc: {  	[tilespmem:s21+$0xFFFFFFE0] =	vst v5  }
0xbd: {  	[tilespmem:s21+$0xFFFFFFF0] =	vst v3  }
0xbe: {  	[tilespmem:s21+$0x0] =	vst v0  }
0xbf: {  	[tilespmem:s21+$0x10] =	vst v1  }
0xc0: {  	[tilespmem:s21+$0x20] =	vst v2  }
0xc1: {  	s20 =	sadd.s32 $0x1, s20;
	[tilespmem:s21+$0xFFFFFFC0] =	vst v4  }
0xc2: {  	[hbm4b:s8+s10] =	stream.strided.scatter [tilespmem:s17], [sflag:$0x2], $0x1000, s11, s10, $0x38;
	[tilespmem:$0x1EB00] =	vst v63  }
0xc3: {  	p1 =	sne.s32 s20, s9;
	_ =	swait.ge [sflag:s18], $0x1000  }
.Ltmp4:
0xc4: {  	[sflag:s18] =	ssyncset.done $0x0;
	(pc) =	sbr.rel @p1 .LBB2_1-.Ltmp4, $4  }
0xc5: {  	[sflag:s18] =	ssyncadd.s32 $0xFFFFF000  }
0xc6: {  	_ =	swait.ge [sflag:s19], $0x1000  }
0xc7: {  	[sflag:s19] =	ssyncset.done $0x0  }
0xc8: {  	[sflag:s19] =	ssyncadd.s32 $0xFFFFF000  }
0xc9: {  	_ =	sfence.sel $0x180000  }
0xca: {  	[bflag:$0x0] =	sbarrier.arrive $0xFFFF  }
0xcb: {  	_ =	strace $0x90000047  }
0xcc: {  	s0 =	sadd.s32 @!p0 $0x100000, s0;
	[bflag:$0x2] =	sbarrier.arrive $0xFFFF  }
0xcd: {  	[sflag:s0] =	ssyncadd.tile.s32 @!p0 $0x1;
	_ =	shalt  }
.Lfunc_end2:
_tile_overlayer_lowered:
.L_overlay_start_2:
0xce: {  	(tag) =	ssettag $0x2  }
0xcf: {  	s0 =	rddreg [dreg:$0x0];
	s2 =	stileid.u32  }
0xd0: {  	s1 =	rddreg [dreg:$0x1];
	p0 =	sne.s32 s2, $0x0  }
0xd1: {  	s3 =	rddreg [dreg:$0x2];
	[bflag:$0x3] =	sbarrier.arrive $0xFFFF;
	s2 =	simm.s32 @!p0 $0x1C04  }
0xd2: {  	[timem:s3], [sflag:s2] =	dma.local @!p0 [hbm:s0], s1  }
0xd3: {  	s0 =	simm.s32 @!p0 $0x4  }
0xd4: {  	_ =	swait.ge @!p0 [sflag:s0], s1  }
0xd5: {  	s1 =	ssub.s32 @!p0 $0x0, s1;
	[sflag:s0] =	ssyncset.done @!p0 $0x0  }
0xd6: {  	[sflag:s0] =	ssyncadd.s32 @!p0 s1  }
0xd7: {  	[bflag:$0x3] =	sbarrier.arrive $0xFFFF  }
0xd8: {  	_ =	shalt  }

</sc_bundles>
